<compile_context>
chip_gen: v7x
topology: tpu7x:2x2x1
jax: 0.10.2.dev20260603
libtpu: 0.0.44.dev20260713+nightly
codegen_flags: <defaults>
</compile_context>

<pallas_src>
import functools

import jax
import jax.numpy as jnp
from jax import lax
from jax.experimental import pallas as pl
from jax.experimental.pallas import tpu as pltpu
from jax.experimental.pallas import tpu_sc as plsc

_NUM_CORES = 2
_NUM_SUBCORES = 16
_NUM_WORKERS = _NUM_CORES * _NUM_SUBCORES
_OUT_CHUNK = 2048


@functools.lru_cache(maxsize=None)
def _make_gather_t(n_rows, n_cols, batch):
    rows_per_w = n_rows // _NUM_WORKERS
    n_out_chunks = batch // _OUT_CHUNK
    mesh = plsc.VectorSubcoreMesh(core_axis_name="c", subcore_axis_name="s")

    @functools.partial(
        pl.kernel,
        mesh=mesh,
        out_type=jax.ShapeDtypeStruct((n_rows, batch), jnp.float32),
        compiler_params=pltpu.CompilerParams(needs_layout_passes=False),
        scratch_types=[
            pltpu.VMEM((batch,), jnp.int32),
            pltpu.VMEM((n_cols,), jnp.float32),
            pltpu.VMEM((2 * _OUT_CHUNK,), jnp.float32),
            pltpu.SemaphoreType.DMA,
            pltpu.SemaphoreType.DMA,
        ],
    )
    def gather_kernel(ii_hbm, table_hbm, out_hbm, idx_v, row_v, out_v, sem,
                      sem_row):
        wid = lax.axis_index("s") * _NUM_CORES + lax.axis_index("c")
        base_r = wid * rows_per_w
        pltpu.async_copy(table_hbm.at[base_r], row_v, sem_row)
        pltpu.sync_copy(ii_hbm, idx_v)

        def drain_one():
            pltpu.make_async_copy(
                out_hbm.at[base_r, pl.ds(0, _OUT_CHUNK)],
                out_v.at[pl.ds(0, _OUT_CHUNK)], sem).wait()

        def row_body(r_off, _):
            r = base_r + r_off
            pltpu.make_async_copy(table_hbm.at[r], row_v, sem_row).wait()

            def chunk_body(co, _):
                k = r_off * n_out_chunks + co

                @pl.when(k >= 2)
                def _():
                    drain_one()

                boff = (k % 2) * _OUT_CHUNK

                @plsc.parallel_loop(0, _OUT_CHUNK, step=16, unroll=8)
                def body(i):
                    iv = idx_v[pl.ds(co * _OUT_CHUNK + i, 16)]
                    out_v[pl.ds(boff + i, 16)] = plsc.load_gather(
                        row_v, [iv])

                pltpu.async_copy(
                    out_v.at[pl.ds(boff, _OUT_CHUNK)],
                    out_hbm.at[r, pl.ds(co * _OUT_CHUNK, _OUT_CHUNK)], sem)
                return ()

            lax.fori_loop(0, n_out_chunks, chunk_body, ())

            @pl.when(r_off + 1 < rows_per_w)
            def _():
                pltpu.async_copy(table_hbm.at[r + 1], row_v, sem_row)

            return ()

        lax.fori_loop(0, rows_per_w, row_body, ())
        drain_one()
        drain_one()

    return gather_kernel


@functools.lru_cache(maxsize=None)
def _make_matmul(batch, k_dim, d_out, blk):
    n_blk = batch // blk

    def mm_kernel(vt_ref, w_ref, o_ref):
        o_ref[...] = jax.lax.dot_general(
            vt_ref[...], w_ref[...], (((0,), (0,)), ((), ())),
            preferred_element_type=jnp.float32)

    return pl.pallas_call(
        mm_kernel,
        grid=(n_blk,),
        in_specs=[
            pl.BlockSpec((k_dim, blk), lambda i: (0, i)),
            pl.BlockSpec((k_dim, d_out), lambda i: (0, 0)),
        ],
        out_specs=pl.BlockSpec((blk, d_out), lambda i: (i, 0)),
        out_shape=jax.ShapeDtypeStruct((batch, d_out), jnp.float32),
    )


def kernel(ii, V, U):
    n_cols, d, n = V.shape
    _, d_out, _ = U.shape
    batch = ii.shape[0]
    n_rows = d * n

    table_t = V.transpose(2, 1, 0).reshape(n_rows, n_cols)
    idx = ii.astype(jnp.int32)

    v_t = _make_gather_t(n_rows, n_cols, batch)(idx, table_t)

    u_mat = U.transpose(0, 2, 1).reshape(n_rows, d_out)
    x_ = _make_matmul(batch, n_rows, d_out, 8192)(v_t, u_mat)

    v = v_t.reshape(n, d, batch).transpose(2, 1, 0)
    return x_, v

# --- scband reference (transcript-rebuilt; emitter-appended) ---
"""Pipeline reference for scband-gsmanifold-cluster-model-49555332661826 (READ-ONLY COPY).

The authoritative reference and input builder live on the scoring server;
editing this copy changes nothing except your own understanding.
"""

import jax, jax.numpy as jnp
import numpy as np

n = 10
d = 16
D = 128
N = 100000
B = 16384

def setup_inputs(seed: int = 0) -> dict:
    key = jax.random.key(seed)
    k1, k2, k3 = jax.random.split(key, 3)
    ii = jax.random.randint(k1, (B,), 0, N)
    V_std = 0.1 / np.sqrt(d)
    U_std = 0.1 / np.sqrt(D)
    V = jax.random.normal(k2, (N, d, n), dtype=jnp.float32) * V_std
    # U stacks the per-group SubspaceModel bases, each [D, d]
    U = jax.random.normal(k3, (n, D, d), dtype=jnp.float32) * U_std
    return {"ii": ii, "V": V, "U": U}

def reference(ii, V, U):
    # v = stack_j embedding(ii, V[:, :, j]) -> equivalent to gathering rows of V
    v = jnp.take(V, ii, axis=0)  # [B, d, n]
    # x_ = sum_j F.linear(v[:, :, j], U_j) = sum_j v[:, :, j] @ U_j.T (no bias)
    x_ = jnp.einsum('bdn,nod->bo', v, U)  # [B, D]
    return (x_, v)

if __name__ == "__main__":
    import jax
    _d = setup_inputs()
    print(jax.jit(kernel)(*tuple(_d.values())))

</pallas_src>

<mosaic_0001>
#map = affine_map<(d0, d1) -> (0)>
#map1 = affine_map<(d0, d1) -> (0, 0)>
module attributes {stable_mosaic.version = 14 : i64} {
  func.func @gather_kernel(%arg0: i32, %arg1: i32, %arg2: memref<16384xi32, #tpu.memory_space<hbm>>, %arg3: memref<160x100000xf32, #tpu.memory_space<hbm>>, %arg4: memref<160x16384xf32, #tpu.memory_space<hbm>>, %arg5: memref<16384xi32, #tpu.memory_space<vmem>>, %arg6: memref<100000xf32, #tpu.memory_space<vmem>>, %arg7: memref<4096xf32, #tpu.memory_space<vmem>>, %arg8: memref<!tpu.dma_semaphore, #tpu.memory_space<semaphore_mem>>, %arg9: memref<!tpu.dma_semaphore, #tpu.memory_space<semaphore_mem>>) attributes {dimension_semantics = [#tpu.dimension_semantics<core_parallel>, #tpu.dimension_semantics<subcore_parallel>], iteration_bounds = array<i64: 2, 16>, scalar_prefetch = 0 : i64, scratch_operands = 5 : i64, tpu.core_type = #tpu.core_type<sc_vector_subcore>, window_params = [{transform_indices = #map}, {transform_indices = #map1}, {transform_indices = #map1}]} {
    %mul3A = arith.constant 2 : i32
    %mul3A_0 = arith.muli %arg1, %mul3A : i32
    %add3A = arith.addi %mul3A_0, %arg0 : i32
    %mul3A_1 = arith.constant 5 : i32
    %mul3A_2 = arith.muli %add3A, %mul3A_1 : i32
    %dma_start3A = arith.constant 0 : i32
    %dma_start3A_3 = tpu.memref_slice %arg3[%mul3A_2, %dma_start3A] : memref<160x100000xf32, #tpu.memory_space<hbm>> -> memref<1x100000xf32, #tpu.memory_space<hbm>>
    %dma_start3A_4 = tpu.memref_squeeze %dma_start3A_3 : memref<1x100000xf32, #tpu.memory_space<hbm>> -> memref<100000xf32, #tpu.memory_space<hbm>>
    %dma_start3A_5 = arith.constant 0 : i32
    %dma_start3A_6 = tpu.memref_slice %arg3[%mul3A_2, %dma_start3A_5] : memref<160x100000xf32, #tpu.memory_space<hbm>> -> memref<1x100000xf32, #tpu.memory_space<hbm>>
    %dma_start3A_7 = tpu.memref_squeeze %dma_start3A_6 : memref<1x100000xf32, #tpu.memory_space<hbm>> -> memref<100000xf32, #tpu.memory_space<hbm>>
    tpu.enqueue_dma source(%dma_start3A_7 : memref<100000xf32, #tpu.memory_space<hbm>>) target(%arg6 : memref<100000xf32, #tpu.memory_space<vmem>>) target_semaphore(%arg9 : memref<!tpu.dma_semaphore, #tpu.memory_space<semaphore_mem>>)
    "tpu.region"() ({
      %run_scoped3A = tpu.sem_alloc : memref<!tpu.dma_semaphore, #tpu.memory_space<semaphore_mem>>
      tpu.enqueue_dma source(%arg2 : memref<16384xi32, #tpu.memory_space<hbm>>) target(%arg5 : memref<16384xi32, #tpu.memory_space<vmem>>) target_semaphore(%run_scoped3A : memref<!tpu.dma_semaphore, #tpu.memory_space<semaphore_mem>>)
      tpu.wait_dma2 semaphore(%run_scoped3A : memref<!tpu.dma_semaphore, #tpu.memory_space<semaphore_mem>>) src(%arg2 : memref<16384xi32, #tpu.memory_space<hbm>>) dst(%arg5 : memref<16384xi32, #tpu.memory_space<vmem>>)
      tpu.yield
    }) : () -> ()
    %scan3A = arith.constant 0 : i32
    %scan3A_8 = arith.constant 5 : i32
    %scan3A_9 = arith.addi %scan3A, %scan3A_8 : i32
    %scan3A_10 = arith.constant 1 : i32
    scf.for %scan3A_31 = %scan3A to %scan3A_9 step %scan3A_10  : i32 {
      %add3A_32 = arith.addi %mul3A_2, %scan3A_31 : i32
      %dma_wait3A_33 = arith.constant 0 : i32
      %dma_wait3A_34 = tpu.memref_slice %arg3[%add3A_32, %dma_wait3A_33] : memref<160x100000xf32, #tpu.memory_space<hbm>> -> memref<1x100000xf32, #tpu.memory_space<hbm>>
      %dma_wait3A_35 = tpu.memref_squeeze %dma_wait3A_34 : memref<1x100000xf32, #tpu.memory_space<hbm>> -> memref<100000xf32, #tpu.memory_space<hbm>>
      %dma_wait3A_36 = arith.constant 0 : i32
      %dma_wait3A_37 = tpu.memref_slice %arg3[%add3A_32, %dma_wait3A_36] : memref<160x100000xf32, #tpu.memory_space<hbm>> -> memref<1x100000xf32, #tpu.memory_space<hbm>>
      %dma_wait3A_38 = tpu.memref_squeeze %dma_wait3A_37 : memref<1x100000xf32, #tpu.memory_space<hbm>> -> memref<100000xf32, #tpu.memory_space<hbm>>
      tpu.wait_dma2 semaphore(%arg9 : memref<!tpu.dma_semaphore, #tpu.memory_space<semaphore_mem>>) src(%dma_wait3A_38 : memref<100000xf32, #tpu.memory_space<hbm>>) dst(%arg6 : memref<100000xf32, #tpu.memory_space<vmem>>)
      %scan3A_39 = arith.constant 0 : i32
      %scan3A_40 = arith.constant 8 : i32
      %scan3A_41 = arith.addi %scan3A_39, %scan3A_40 : i32
      %scan3A_42 = arith.constant 1 : i32
      scf.for %scan3A_48 = %scan3A_39 to %scan3A_41 step %scan3A_42  : i32 {
        %mul3A_49 = arith.constant 8 : i32
        %mul3A_50 = arith.muli %scan3A_31, %mul3A_49 : i32
        %add3A_51 = arith.addi %mul3A_50, %scan3A_48 : i32
        %ge3A = arith.constant 2 : i32
        %ge3A_52 = arith.cmpi sge, %add3A_51, %ge3A : i32
        %convert_element_type3A_53 = arith.extui %ge3A_52 : i1 to i32
        %cond3A_54 = arith.constant 0 : i32
        %cond3A_55 = arith.cmpi ne, %convert_element_type3A_53, %cond3A_54 : i32
        scf.if %cond3A_55 {
          %dma_wait3A_78 = arith.constant 0 : i32
          %dma_wait3A_79 = tpu.memref_slice %arg7[%dma_wait3A_78] : memref<4096xf32, #tpu.memory_space<vmem>> -> memref<2048xf32, #tpu.memory_space<vmem>>
          %dma_wait3A_80 = arith.constant 0 : i32
          %dma_wait3A_81 = tpu.memref_slice %arg4[%mul3A_2, %dma_wait3A_80] : memref<160x16384xf32, #tpu.memory_space<hbm>> -> memref<1x2048xf32, #tpu.memory_space<hbm>>
          %dma_wait3A_82 = tpu.memref_squeeze %dma_wait3A_81 : memref<1x2048xf32, #tpu.memory_space<hbm>> -> memref<2048xf32, #tpu.memory_space<hbm>>
          %dma_wait3A_83 = arith.constant 0 : i32
          %dma_wait3A_84 = tpu.memref_slice %arg7[%dma_wait3A_83] : memref<4096xf32, #tpu.memory_space<vmem>> -> memref<2048xf32, #tpu.memory_space<vmem>>
          %dma_wait3A_85 = arith.constant 0 : i32
          %dma_wait3A_86 = tpu.memref_slice %arg4[%mul3A_2, %dma_wait3A_85] : memref<160x16384xf32, #tpu.memory_space<hbm>> -> memref<1x2048xf32, #tpu.memory_space<hbm>>
          %dma_wait3A_87 = tpu.memref_squeeze %dma_wait3A_86 : memref<1x2048xf32, #tpu.memory_space<hbm>> -> memref<2048xf32, #tpu.memory_space<hbm>>
          tpu.wait_dma2 semaphore(%arg8 : memref<!tpu.dma_semaphore, #tpu.memory_space<semaphore_mem>>) src(%dma_wait3A_87 : memref<2048xf32, #tpu.memory_space<hbm>>) dst(%dma_wait3A_84 : memref<2048xf32, #tpu.memory_space<vmem>>)
        } else {
        }
        %jit3A = arith.constant 2 : i32
        %eq3A = arith.constant 0 : i32
        %eq3A_56 = arith.cmpi eq, %jit3A, %eq3A : i32
        %jit3A_57 = arith.constant 1 : i32
        %select_n3A = arith.select %eq3A_56, %jit3A_57, %jit3A : i32
        %rem3A = arith.remsi %add3A_51, %select_n3A : i32
        %ne3A = arith.constant 0 : i32
        %ne3A_58 = arith.cmpi ne, %rem3A, %ne3A : i32
        %lt3A_59 = arith.constant 0 : i32
        %lt3A_60 = arith.cmpi slt, %rem3A, %lt3A_59 : i32
        %lt3A_61 = arith.constant 0 : i32
        %lt3A_62 = arith.cmpi slt, %select_n3A, %lt3A_61 : i32
        %ne3A_63 = arith.xori %lt3A_60, %lt3A_62 : i1
        %and3A = arith.andi %ne3A_63, %ne3A_58 : i1
        %add3A_64 = arith.addi %rem3A, %select_n3A : i32
        %select_n3A_65 = arith.select %and3A, %add3A_64, %rem3A : i32
        %mul3A_66 = arith.constant 2048 : i32
        %mul3A_67 = arith.muli %select_n3A_65, %mul3A_66 : i32
        %parallel_loop3A = arith.constant 0 : i32
        %parallel_loop3A_68 = arith.constant 2048 : i32
        %parallel_loop3A_69 = arith.constant 16 : i32
        scf.for %parallel_loop3A_78 = %parallel_loop3A to %parallel_loop3A_68 step %parallel_loop3A_69  : i32 {
          %parallel_loop3A_79 = arith.constant 2048 : i32
          %parallel_loop3A_80 = arith.muli %scan3A_48, %parallel_loop3A_79 : i32
          %parallel_loop3A_81 = arith.addi %parallel_loop3A_80, %parallel_loop3A_78 : i32
          %parallel_loop3A_82 = arith.index_cast %parallel_loop3A_81 : i32 to index
          %parallel_loop3A_83 = tpu.vector_load %arg5[%parallel_loop3A_82] {strides = array<i32>} : memref<16384xi32, #tpu.memory_space<vmem>>, vector<16xi32>,
          %parallel_loop3A_84 = tpu.vector_load_idx %arg6[%parallel_loop3A_83] : memref<100000xf32, #tpu.memory_space<vmem>>[vector<16xi32>], vector<16xf32>,
          %parallel_loop3A_85 = arith.addi %mul3A_67, %parallel_loop3A_78 : i32
          %parallel_loop3A_86 = arith.index_cast %parallel_loop3A_85 : i32 to index
          %parallel_loop3A_87 = tpu.vector_load %arg7[%parallel_loop3A_86] {strides = array<i32>} : memref<4096xf32, #tpu.memory_space<vmem>>, vector<16xf32>,
          tpu.vector_store %arg7[%parallel_loop3A_86], %parallel_loop3A_84 {strides = array<i32>} : memref<4096xf32, #tpu.memory_space<vmem>>, vector<16xf32>,
        } {sc.loop_unroll_factor = 8 : i64, sc.parallel_access}
        %mul3A_70 = arith.constant 2048 : i32
        %mul3A_71 = arith.muli %scan3A_48, %mul3A_70 : i32
        %dma_start3A_72 = tpu.memref_slice %arg7[%mul3A_67] : memref<4096xf32, #tpu.memory_space<vmem>> -> memref<2048xf32, #tpu.memory_space<vmem>>
        %dma_start3A_73 = tpu.memref_slice %arg4[%add3A_32, %mul3A_71] : memref<160x16384xf32, #tpu.memory_space<hbm>> -> memref<1x2048xf32, #tpu.memory_space<hbm>>
        %dma_start3A_74 = tpu.memref_squeeze %dma_start3A_73 : memref<1x2048xf32, #tpu.memory_space<hbm>> -> memref<2048xf32, #tpu.memory_space<hbm>>
        %dma_start3A_75 = tpu.memref_slice %arg4[%add3A_32, %mul3A_71] : memref<160x16384xf32, #tpu.memory_space<hbm>> -> memref<1x2048xf32, #tpu.memory_space<hbm>>
        %dma_start3A_76 = tpu.memref_squeeze %dma_start3A_75 : memref<1x2048xf32, #tpu.memory_space<hbm>> -> memref<2048xf32, #tpu.memory_space<hbm>>
        %dma_start3A_77 = tpu.memref_slice %arg7[%mul3A_67] : memref<4096xf32, #tpu.memory_space<vmem>> -> memref<2048xf32, #tpu.memory_space<vmem>>
        tpu.enqueue_dma source(%dma_start3A_77 : memref<2048xf32, #tpu.memory_space<vmem>>) target(%dma_start3A_76 : memref<2048xf32, #tpu.memory_space<hbm>>) target_semaphore(%arg8 : memref<!tpu.dma_semaphore, #tpu.memory_space<semaphore_mem>>)
      }
      %scan3A_43 = arith.constant 8 : i32
      %add3A_44 = arith.constant 1 : i32
      %add3A_45 = arith.addi %scan3A_31, %add3A_44 : i32
      %lt3A = arith.constant 5 : i32
      %lt3A_46 = arith.cmpi slt, %add3A_45, %lt3A : i32
      %convert_element_type3A = arith.extui %lt3A_46 : i1 to i32
      %cond3A = arith.constant 0 : i32
      %cond3A_47 = arith.cmpi ne, %convert_element_type3A, %cond3A : i32
      scf.if %cond3A_47 {
        %add3A_48 = arith.constant 1 : i32
        %add3A_49 = arith.addi %add3A_32, %add3A_48 : i32
        %dma_start3A_50 = arith.constant 0 : i32
        %dma_start3A_51 = tpu.memref_slice %arg3[%add3A_49, %dma_start3A_50] : memref<160x100000xf32, #tpu.memory_space<hbm>> -> memref<1x100000xf32, #tpu.memory_space<hbm>>
        %dma_start3A_52 = tpu.memref_squeeze %dma_start3A_51 : memref<1x100000xf32, #tpu.memory_space<hbm>> -> memref<100000xf32, #tpu.memory_space<hbm>>
        %dma_start3A_53 = arith.constant 0 : i32
        %dma_start3A_54 = tpu.memref_slice %arg3[%add3A_49, %dma_start3A_53] : memref<160x100000xf32, #tpu.memory_space<hbm>> -> memref<1x100000xf32, #tpu.memory_space<hbm>>
        %dma_start3A_55 = tpu.memref_squeeze %dma_start3A_54 : memref<1x100000xf32, #tpu.memory_space<hbm>> -> memref<100000xf32, #tpu.memory_space<hbm>>
        tpu.enqueue_dma source(%dma_start3A_55 : memref<100000xf32, #tpu.memory_space<hbm>>) target(%arg6 : memref<100000xf32, #tpu.memory_space<vmem>>) target_semaphore(%arg9 : memref<!tpu.dma_semaphore, #tpu.memory_space<semaphore_mem>>)
      } else {
      }
    }
    %scan3A_11 = arith.constant 5 : i32
    %dma_wait3A = arith.constant 0 : i32
    %dma_wait3A_12 = tpu.memref_slice %arg7[%dma_wait3A] : memref<4096xf32, #tpu.memory_space<vmem>> -> memref<2048xf32, #tpu.memory_space<vmem>>
    %dma_wait3A_13 = arith.constant 0 : i32
    %dma_wait3A_14 = tpu.memref_slice %arg4[%mul3A_2, %dma_wait3A_13] : memref<160x16384xf32, #tpu.memory_space<hbm>> -> memref<1x2048xf32, #tpu.memory_space<hbm>>
    %dma_wait3A_15 = tpu.memref_squeeze %dma_wait3A_14 : memref<1x2048xf32, #tpu.memory_space<hbm>> -> memref<2048xf32, #tpu.memory_space<hbm>>
    %dma_wait3A_16 = arith.constant 0 : i32
    %dma_wait3A_17 = tpu.memref_slice %arg7[%dma_wait3A_16] : memref<4096xf32, #tpu.memory_space<vmem>> -> memref<2048xf32, #tpu.memory_space<vmem>>
    %dma_wait3A_18 = arith.constant 0 : i32
    %dma_wait3A_19 = tpu.memref_slice %arg4[%mul3A_2, %dma_wait3A_18] : memref<160x16384xf32, #tpu.memory_space<hbm>> -> memref<1x2048xf32, #tpu.memory_space<hbm>>
    %dma_wait3A_20 = tpu.memref_squeeze %dma_wait3A_19 : memref<1x2048xf32, #tpu.memory_space<hbm>> -> memref<2048xf32, #tpu.memory_space<hbm>>
    tpu.wait_dma2 semaphore(%arg8 : memref<!tpu.dma_semaphore, #tpu.memory_space<semaphore_mem>>) src(%dma_wait3A_20 : memref<2048xf32, #tpu.memory_space<hbm>>) dst(%dma_wait3A_17 : memref<2048xf32, #tpu.memory_space<vmem>>)
    %dma_wait3A_21 = arith.constant 0 : i32
    %dma_wait3A_22 = tpu.memref_slice %arg7[%dma_wait3A_21] : memref<4096xf32, #tpu.memory_space<vmem>> -> memref<2048xf32, #tpu.memory_space<vmem>>
    %dma_wait3A_23 = arith.constant 0 : i32
    %dma_wait3A_24 = tpu.memref_slice %arg4[%mul3A_2, %dma_wait3A_23] : memref<160x16384xf32, #tpu.memory_space<hbm>> -> memref<1x2048xf32, #tpu.memory_space<hbm>>
    %dma_wait3A_25 = tpu.memref_squeeze %dma_wait3A_24 : memref<1x2048xf32, #tpu.memory_space<hbm>> -> memref<2048xf32, #tpu.memory_space<hbm>>
    %dma_wait3A_26 = arith.constant 0 : i32
    %dma_wait3A_27 = tpu.memref_slice %arg7[%dma_wait3A_26] : memref<4096xf32, #tpu.memory_space<vmem>> -> memref<2048xf32, #tpu.memory_space<vmem>>
    %dma_wait3A_28 = arith.constant 0 : i32
    %dma_wait3A_29 = tpu.memref_slice %arg4[%mul3A_2, %dma_wait3A_28] : memref<160x16384xf32, #tpu.memory_space<hbm>> -> memref<1x2048xf32, #tpu.memory_space<hbm>>
    %dma_wait3A_30 = tpu.memref_squeeze %dma_wait3A_29 : memref<1x2048xf32, #tpu.memory_space<hbm>> -> memref<2048xf32, #tpu.memory_space<hbm>>
    tpu.wait_dma2 semaphore(%arg8 : memref<!tpu.dma_semaphore, #tpu.memory_space<semaphore_mem>>) src(%dma_wait3A_30 : memref<2048xf32, #tpu.memory_space<hbm>>) dst(%dma_wait3A_27 : memref<2048xf32, #tpu.memory_space<vmem>>)
    return
  }
}

module attributes {stable_mosaic.version = 14 : i64} {
  func.func @mm_kernel(%arg0: i32, %arg1: memref<160x8192xf32, #tpu.memory_space<vmem>>, %arg2: memref<160x128xf32, #tpu.memory_space<vmem>>, %arg3: memref<8192x128xf32, #tpu.memory_space<vmem>>) attributes {dimension_semantics = [#tpu.dimension_semantics<arbitrary>], iteration_bounds = array<i64: 2>, scalar_prefetch = 0 : i64, scratch_operands = 0 : i64, tpu.core_type = #tpu.core_type<tc>, window_params = [{transform_indices = @transform_0, window_bounds = array<i64: 160, 8192>}, {pipeline_mode = #tpu.pipeline_mode<synchronous>, transform_indices = @transform_1, window_bounds = array<i64: 160, 128>}, {transform_indices = @transform_2, window_bounds = array<i64: 8192, 128>}]} {
    %get3A = arith.constant 0 : index
    %get3A_0 = arith.constant 0 : index
    %get3A_1 = vector.load %arg1[%get3A, %get3A_0] : memref<160x8192xf32, #tpu.memory_space<vmem>>, vector<160x8192xf32>
    %get3A_2 = arith.constant 0 : index
    %get3A_3 = arith.constant 0 : index
    %get3A_4 = vector.load %arg2[%get3A_2, %get3A_3] : memref<160x128xf32, #tpu.memory_space<vmem>>, vector<160x128xf32>
    %dot_general3A = arith.constant dense<0.000000e+00> : vector<8192x128xf32>
    %dot_general3A_5 = tpu.matmul %get3A_1, %get3A_4, %dot_general3A {dimension_numbers = #tpu.dot_dimension_numbers<[0], [0], [1], [1], [0, 1, 1, 1], [], []>, transpose_lhs_hint = false} : vector<160x8192xf32>, vector<160x128xf32>, vector<8192x128xf32> -> vector<8192x128xf32>
    %swap3A = arith.constant 0 : index
    %swap3A_6 = arith.constant 0 : index
    %swap3A_7 = vector.load %arg3[%swap3A, %swap3A_6] : memref<8192x128xf32, #tpu.memory_space<vmem>>, vector<8192x128xf32>
    tpu.vector_store %arg3[%swap3A, %swap3A_6], %dot_general3A_5 {strides = array<i32>} : memref<8192x128xf32, #tpu.memory_space<vmem>>, vector<8192x128xf32>,
    return
  }
  func.func @transform_0(%arg0: i32) -> (i32, i32) {
    %c0_i32 = arith.constant 0 : i32
    %c0_i32_0 = arith.constant 0 : i32
    return %c0_i32, %arg0 : i32, i32
  }
  func.func @transform_1(%arg0: i32) -> (i32, i32) {
    %c0_i32 = arith.constant 0 : i32
    %c0_i32_0 = arith.constant 0 : i32
    %c0_i32_1 = arith.constant 0 : i32
    return %c0_i32, %c0_i32_0 : i32, i32
  }
  func.func @transform_2(%arg0: i32) -> (i32, i32) {
    %c0_i32 = arith.constant 0 : i32
    %c0_i32_0 = arith.constant 0 : i32
    return %arg0, %c0_i32 : i32, i32
  }
}

</mosaic_0001>

<sc_bundles>
// kernel: kernel.4.cloned.1.call-start
scs
__scs_entry_jumppad:
0x0: {  	(pc) =	sbr.rel $0x88, $3  }
0x1: {  	(tag) =	ssettag $0x0;
	lr =	simm.s32 $0x1  }
0x2: {  	[smem:$0x3F9E] =	sst lr;
	_ =	strace $0xD0000000  }
0x3: {  	_ = 	snop  }
0x4: {  	_ = 	snop  }
0x5: {  	_ = 	snop  }
0x6: {  	_ = 	snop  }
0x7: {  	_ = 	snop  }
__scs_overlays_trampoline_lowered:
0x8: {  	[smem:$0x3FAD] =	sst s0  }
0x9: {  	[smem:$0x3FAE] =	sst s1  }
0xa: {  	[smem:$0x3FAF] =	sst s2  }
0xb: {  	[smem:$0x3FB0] =	sst s3  }
0xc: {  	[smem:$0x3FB1] =	sst s4  }
0xd: {  	[smem:$0x3FB2] =	sst s5  }
0xe: {  	[smem:$0x3FB3] =	sst s6  }
0xf: {  	[smem:$0x3FB4] =	sst s7  }
0x10: {  	[smem:$0x3FB5] =	sst s8  }
0x11: {  	[smem:$0x3FB6] =	sst s9;
	s0 =	simm.s32 @!p0 $0x0  }
0x12: {  	s1 =	sld [smem:$0x3F9C];
	s0 =	simm.s32 @p0 $0x1  }
0x13: {  	[smem:$0x3FB7] =	sst s0;
	s0 =	simm.s32 @!p1 $0x0  }
0x14: {  	s2 =	sld [smem:$0x3F9B];
	s0 =	simm.s32 @p1 $0x1  }
0x15: {  	[smem:$0x3FB8] =	sst s0;
	s0 =	simm.s32 @!p2 $0x0  }
0x16: {  	s3 =	sld [smem:$0x3FDB];
	s0 =	simm.s32 @p2 $0x1  }
0x17: {  	s4 =	simm.s32 $0x1BF5;
	[smem:$0x3FBA] =	sst s0  }
0x18: {  	s0 =	sld [smem:$0x3F9D];
	_ =	swait.ge [sflag:s4], $0x0  }
0x19: {  	s7 =	sld [smem:$0x3F9E]  }
0x1a: {  	s8 =	sadd.s32 $0xFFFFE003, lr  }
0x1b: {  	s9 =	sadd.s32 $0xFFFFFEF7, lr;
	s5 =	simm.s32 $0xFFFFFFFF;
	p2 =	slt.u32 s8, $0xFFFFF086  }
0x1c: {  	p1 =	slt.u32 s9, $0xF7A;
	s5 =	simm.s32 @!p2 $0x0  }
0x1d: {  	s5 =	simm.s32 @p1 $0x1;
	p0 =	seq.s32 s7, s2  }
0x1e: {  	s7 =	smul.u32 @!p0 $0xF7A, s2;
	p2 =	seq.s32 @!p0 s5, $0x0  }
0x1f: {  	s9 =	smul.u32 $0xF7A, s1;
	s8 =	simm.s32 @!p0 $0x1BF5;
	p2 =	por !p2, p0  }
0x20: {  	[sflag:s8] =	ssyncset.s32 @!p0 $0xFFFFF086;
	s6 =	sadd.s32 @!p0 s3, s7;
	s7 =	simm.s32 @!p0 $0x108  }
0x21: {  	s3 =	sadd.s32 s3, s9;
	s6 =	sadd.s32 @!p0 $0x88, s6;
	s7 =	simm.s32 @p2 $0x1082  }
0x22: {  	[simem:s7], [sflag:s8] =	dma.local @!p0 [hbm:s6], $0xF7A  }
0x23: {  	s9 =	sor.u32 $0xD0000000, s2;
	s6 =	simm.s32 $0x108;
	_ =	swait.ge @!p0 [sflag:s8], $0x0  }
0x24: {  	s3 =	sadd.s32 $0x88, s3;
	s6 =	simm.s32 @!p1 $0x1082;
	[sflag:s4] =	ssyncset.s32 $0xFFFFF086  }
0x25: {  	[simem:s6], [sflag:s4] =	dma.local [hbm:s3], $0xF7A  }
0x26: {  	[smem:$0x3F9E] =	sst s1;
	(tag) =	ssettag s2;
	_ =	strace s9  }
0x27: {  	s1 =	sld [smem:$0x3FAE]  }
0x28: {  	s2 =	sld [smem:$0x3FAF]  }
0x29: {  	s4 =	sld [smem:$0x3FB1]  }
0x2a: {  	p0 =	seq.s32 s5, $0x0;
	s5 =	sld [smem:$0x3FB2]  }
0x2b: {  	s6 =	sld [smem:$0x3FB3]  }
0x2c: {  	s7 =	sld [smem:$0x3FB4]  }
0x2d: {  	s3 =	simm.s32 $0x108;
	s8 =	sld [smem:$0x3FB5]  }
0x2e: {  	s3 =	simm.s32 @!p0 $0x1082;
	s9 =	sld [smem:$0x3FB6]  }
0x2f: {  	lr =	sadd.s32 s0, s3;
	s0 =	sld [smem:$0x3FAD]  }
0x30: {  	s3 =	sld [smem:$0x3FB0]  }
0x31: {  	[smem:$0x3FB9] =	sst s10  }
0x32: {  	s10 =	sld [smem:$0x3FB7];
	_ =	sdelay $0x3  }
0x33: {  	p0 =	seq.s32 s10, $0x1;
	s10 =	sld [smem:$0x3FB9];
	_ =	sdelay $0x3  }
0x34: {  	[smem:$0x3FB9] =	sst s10  }
0x35: {  	s10 =	sld [smem:$0x3FB8];
	_ =	sdelay $0x3  }
0x36: {  	p1 =	seq.s32 s10, $0x1;
	s10 =	sld [smem:$0x3FB9];
	_ =	sdelay $0x3  }
0x37: {  	[smem:$0x3FB9] =	sst s10  }
0x38: {  	s10 =	sld [smem:$0x3FBA]  }
0x39: {  	_ = 	snop;
	(pc) =	sbr.ind lr, $3  }
0x3a: {  	_ = 	snop  }
0x3b: {  	_ = 	snop  }
0x3c: {  	p2 =	seq.s32 s10, $0x1;
	s10 =	sld [smem:$0x3FB9]  }
0x3d: {  	_ =	shalt  }
0x3e: {  	_ =	shalt  }
0x3f: {  	_ =	shalt  }
0x40: {  	_ =	shalt  }
0x41: {  	_ =	shalt  }
0x42: {  	_ =	shalt  }
0x43: {  	_ =	shalt  }
0x44: {  	_ =	shalt  }
0x45: {  	_ =	shalt  }
0x46: {  	_ =	shalt  }
0x47: {  	_ =	shalt  }
0x48: {  	_ =	shalt  }
0x49: {  	_ =	shalt  }
0x4a: {  	_ =	shalt  }
0x4b: {  	_ =	shalt  }
0x4c: {  	_ =	shalt  }
0x4d: {  	_ =	shalt  }
0x4e: {  	_ =	shalt  }
0x4f: {  	_ =	shalt  }
0x50: {  	_ =	shalt  }
0x51: {  	_ =	shalt  }
0x52: {  	_ =	shalt  }
0x53: {  	_ =	shalt  }
0x54: {  	_ =	shalt  }
0x55: {  	_ =	shalt  }
0x56: {  	_ =	shalt  }
0x57: {  	_ =	shalt  }
0x58: {  	_ =	shalt  }
0x59: {  	_ =	shalt  }
0x5a: {  	_ =	shalt  }
0x5b: {  	_ =	shalt  }
0x5c: {  	_ =	shalt  }
0x5d: {  	_ =	shalt  }
0x5e: {  	_ =	shalt  }
0x5f: {  	_ =	shalt  }
0x60: {  	_ =	shalt  }
0x61: {  	_ =	shalt  }
0x62: {  	_ =	shalt  }
0x63: {  	_ =	shalt  }
0x64: {  	_ =	shalt  }
0x65: {  	_ =	shalt  }
0x66: {  	_ =	shalt  }
0x67: {  	_ =	shalt  }
0x68: {  	_ =	shalt  }
0x69: {  	_ =	shalt  }
0x6a: {  	_ =	shalt  }
0x6b: {  	_ =	shalt  }
0x6c: {  	_ =	shalt  }
0x6d: {  	_ =	shalt  }
0x6e: {  	_ =	shalt  }
0x6f: {  	_ =	shalt  }
0x70: {  	_ =	shalt  }
0x71: {  	_ =	shalt  }
0x72: {  	_ =	shalt  }
0x73: {  	_ =	shalt  }
0x74: {  	_ =	shalt  }
0x75: {  	_ =	shalt  }
0x76: {  	_ =	shalt  }
0x77: {  	_ =	shalt  }
0x78: {  	_ =	shalt  }
0x79: {  	_ =	shalt  }
0x7a: {  	_ =	shalt  }
0x7b: {  	_ =	shalt  }
0x7c: {  	_ =	shalt  }
0x7d: {  	_ =	shalt  }
0x7e: {  	_ =	shalt  }
0x7f: {  	_ =	shalt  }
0x80: {  	_ =	shalt  }
0x81: {  	_ =	shalt  }
0x82: {  	_ =	shalt  }
0x83: {  	_ =	shalt  }
0x84: {  	_ =	shalt  }
0x85: {  	_ =	shalt  }
0x86: {  	_ =	shalt  }
0x87: {  	_ =	shalt  }
.Lfunc_end0:
.L_simem_size_0:
called_computation_lowered:
.L_overlay_start_0:
0x88: {  	s2 =	sld [smem:$0x3FD9]  }
0x89: {  	s3 =	sld [smem:$0x3FFE];
	_ =	sdelay $0x1  }
0x8a: {  	s1 =	srdreg.scid  }
0x8b: {  	s0 =	sand.u32 $0x1, s1  }
0x8c: {  	s15 =	sshll.u32 s0, $0xA;
	s2 =	sadd.s32 s3, s2  }
0x8d: {  	s2 =	sadd.s32 s2, s15  }
0x8e: {  	[smem:$0x3FC5] =	sst s2  }
0x8f: {  	_ = 	snop  }
0x90: {  	s2 =	sld [smem:$0x3FD0];
	_ =	sdelay $0x1  }
0x91: {  	s16 =	sld [smem:$0x3FC9]  }
0x92: {  	s5 =	simm.s32 $0xA;
	s6 =	simm.s32 $0x10;
	s4 =	sld [smem:$0x3FC8]  }
0x93: {  	[smem:s6], [sflag:s5] =	dma.local [hbm:s2], $0x1  }
0x94: {  	_ =	swait.eq [sflag:s5], $0x1  }
0x95: {  	[sflag:s5] =	ssyncset.done $0x0  }
0x96: {  	[sflag:s5] =	ssyncadd.s32 $0xFFFFFFFF  }
0x97: {  	s17 =	sld [smem:$0x11];
	(tm) =	ssettm $0x1  }
0x98: {  	s18 =	sld [smem:$0x3FFB];
	_ =	sdelay $0x3  }
0x99: {  	_ =	strace s18  }
0x9a: {  	s5 =	sld [smem:$0x3FFC];
	_ =	sdelay $0x3  }
0x9b: {  	_ =	strace s5  }
0x9c: {  	s5 =	sld [smem:$0x3FFD];
	_ =	sdelay $0x3  }
0x9d: {  	_ =	strace s5  }
0x9e: {  	_ =	strace $0x8FFFFFFF  }
0x9f: {  	s19 =	sld [smem:$0x3FDB];
	_ =	sdelay $0x1  }
0xa0: {  	s20 =	simm.s32 $_scs_section_size  }
0xa1: {  	s7 =	simm.s32 $_size__tile_overlayer_lowered;
	s8 =	simm.s32 $_tile_overlayer_lowered  }
0xa2: {  	s23 =	simm.s32 $0x1BFF;
	s22 =	sshll.u32 s8, $0x1;
	s5 =	sadd.s32 s20, s19  }
0xa3: {  	s9 =	simm.s32 $0x0;
	s21 =	sshll.u32 s7, $0x1;
	s7 =	sadd.s32 s22, s5  }
0xa4: {  	[timem:s9], [sflag:s23] =	dma.local [hbm:s7], s21  }
0xa5: {  	_ =	swait.ge [sflag:s23], s21  }
0xa6: {  	s6 =	ssub.s32 $0x0, s21;
	[sflag:s23] =	ssyncset.done $0x0  }
0xa7: {  	[sflag:s23] =	ssyncadd.s32 s6;
	_ =	sdelay $0x1  }
0xa8: {  	s24 =	simm.s32 $0x1B8B  }
0xa9: {  	_ =	swait.ge [sflag:s24], $0x1  }
0xaa: {  	[sflag:s24] =	ssyncset.done $0x0  }
0xab: {  	s25 =	simm.s32 $0x1B8E;
	[sflag:s24] =	ssyncadd.s32 $0xFFFFFFFF  }
0xac: {  	s26 =	simm.s32 $execute0_lowered;
	[smem:$0x3FD2] =	sst s25  }
0xad: {  	s6 =	sshll.u32 s26, $0x1;
	_ =	strace $0x80000046;
	[dreg:$0x1] =	wrdreg $0xFFFFFFFF  }
0xae: {  	s28 =	simm.s32 $_size_execute0_lowered;
	s5 =	sadd.s32 s5, s6;
	[dreg:$0x0] =	wrdreg $0x0  }
0xaf: {  	s6 =	sshll.u32 s28, $0x1;
	[dreg:$0x2] =	wrdreg s5  }
0xb0: {  	[dreg:$0x3] =	wrdreg s6  }
0xb1: {  	[dreg:$0x4] =	wrdreg $0xC0  }
0xb2: {  	_ =	task [dreg:s9], $0x5FFFF  }
0xb3: {  	[dreg:$0x1] =	wrdreg $0xFFFFFFFF  }
0xb4: {  	[dreg:$0x0] =	wrdreg $0x60  }
0xb5: {  	[dreg:$0x2] =	wrdreg s16  }
0xb6: {  	[dreg:$0x3] =	wrdreg s4  }
0xb7: {  	[dreg:$0x4] =	wrdreg s17  }
0xb8: {  	[dreg:$0x5] =	wrdreg $0x9  }
0xb9: {  	_ =	task.clear_ibuf [dreg:s9], $0x6FFFF;
	_ =	strace $0x90000046  }
0xba: {  	s29 =	simm.s32 $0x9;
	_ =	strace $0x80000048  }
0xbb: {  	_ =	swait.ge [sflag:s29], $0x1  }
0xbc: {  	[sflag:s29] =	ssyncadd.s32 $0xFFFFFFFF  }
0xbd: {  	_ =	strace $0x90000048  }
0xbe: {  	_ =	sfence  }
0xbf: {  	s30 =	sld [smem:$0x0];
	_ =	sdelay $0x2  }
0xc0: {  	s31 =	sshll.u32 s1, $0xD;
	s1 =	sshrl.u32 s1, $0x2  }
0xc1: {  	s3 =	sand.u32 $0x4000, s31;
	s1 =	sadd.s32 s1, s30  }
0xc2: {  	s0 =	sor.u32 s3, s0;
	s1 =	sshll.u32 s1, $0x11  }
0xc3: {  	s0 =	sor.u32 s1, s0  }
0xc4: {  	s0 =	sadd.s32 $0x8F2B, s0  }
0xc5: {  	[sflag:s0] =	ssyncadd.remote.s32 $0x1  }
0xc6: {  	_ =	sfence.sel $0xFFFF  }
0xc7: {  	[dreg:$0x0] =	wrdreg $0xFFFFFFFF;
	(pc) =	sbr.abs _section_cstart, $3  }
0xc8: {  	[dreg:$0x1] =	wrdreg $0xFFFFFFFF  }
0xc9: {  	_ =	task.clear_ibuf [dreg:s9], $0x2FFFF;
	_ =	strace $0x9FFFFFFF  }
0xca: {  	(tm) =	ssettm $0x7FFFFFFF  }
0xcb: {  	_ =	shalt  }
tec
execute0_lowered:
.L_overlay_start_1:
0x0: {  	(tag) =	ssettag $0x1  }
0x1: {  	s1 =	srdreg.scid;
	s0 =	stileid.u32  }
0x2: {  	s2 =	rddreg [dreg:$0x0];
	s7 =	sand.u32 $0x1, s1;
	s29 =	sshll.u32 s0, $0x1  }
0x3: {  	s4 =	rddreg [dreg:$0x1];
	s1 =	sor.u32 s7, s29  }
0x4: {  	s5 =	rddreg [dreg:$0x2];
	s11 =	simm.s32 $0x4000;
	s3 =	smul.u32 $0x5, s1  }
0x5: {  	s12 =	simm.s32 $0x3;
	s13 =	simm.s32 $0x2;
	s14 =	simm.s32 $0x1  }
0x6: {  	s15 =	simm.s32 $0x0;
	s8 =	smul.u32 $0x280, s1;
	s6 =	sshrl.u32 s3, $0x3  }
0x7: {  	s7 =	ssub.s32 $0x2, s7;
	s1 =	rddreg [dreg:$0x3];
	s9 =	smul.u32 $0xC3800, s6  }
0x8: {  	s10 =	sshrl.u32 s7, $0x1;
	s8 =	sand.u32 $0x380, s8;
	s6 =	simm.s32 $0x0  }
0x9: {  	s30 =	ssub.s32 s7, s10;
	[smem:$0x7FF] =	sst s6;
	s8 =	sor.u32 s8, s9  }
0xa: {  	s10 =	simm.s32 $0x400;
	_ =	strace $0x80000047;
	s31 =	sshrl.u32 s8, $0x3  }
0xb: {  	s9 =	simm.s32 $0x80;
	s8 =	smax.u32 s30, $0x1;
	s7 =	sadd.s32 s4, s31  }
.LBB2_1:
0xc: {  	[tilespmem:s11], [sflag:$0x2] =	stream.strided.gather [hbm4b:s7+s9], $0x18700, s10, s9, $0x38;
	[tilespmem:$0x1D700] =	vst v63  }
0xd: {  	_ = 	snop  }
0xe: {  	[tilespmem:s6], [sflag:$0x3] =	stream.linear.gather [hbm4b:s2+s6], $0x4000, $0x38;
	[tilespmem:$0x1D700] =	vst v63  }
0xf: {  	_ =	swait.ge [sflag:s12], $0x4000  }
0x10: {  	[sflag:s12] =	ssyncset.done $0x0  }
0x11: {  	s16 =	simm.s32 $0x0;
	[sflag:s12] =	ssyncadd.s32 $0xFFFFC000  }
.LBB2_2:
0x12: {  	s17 =	sadd.s32 s3, s16;
	_ =	swait.ge [sflag:s13], $0x18700;
	s21 =	simm.s32 $0x0  }
0x13: {  	p0 =	por $0x0, $0x0;
	s22 =	simm.s32 $0x40;
	s18 =	sshll.u32 s17, $0x4  }
0x14: {  	[sflag:s13] =	ssyncset.done $0x0;
	s19 =	sand.u32 $0x1F8, s17;
	s20 =	sand.u32 $0x70, s18  }
0x15: {  	[sflag:s13] =	ssyncadd.s32 $0xFFFE7900;
	s18 =	sshll.u32 s16, $0x3;
	s20 =	sadd.s32 s5, s20  }
.LBB2_3:
0x16: {  	s23 =	sadd.s32 s18, s21  }
0x17: {  	p1 =	slt.u32 s23, $0x2  }
0x18: {  	s23 =	simm.s32 @!p1 $0x1  }
0x19: {  	_ =	swait.ge @!p1 [sflag:s23], $0x800  }
0x1a: {  	[sflag:s23] =	ssyncset.done @!p1 $0x0  }
0x1b: {  	[sflag:s23] =	ssyncadd.s32 @!p1 $0xFFFFF800  }
0x1c: {  	v0 =	vld [tilespmem:s22+$0x30]  }
0x1d: {  	v1 =	vld [tilespmem:s22+$0xFFFFFFD0]  }
0x1e: {  	v2 =	vld [tilespmem:s22+$0xFFFFFFE0]  }
0x1f: {  	v3 =	vld [tilespmem:s22+$0xFFFFFFF0]  }
0x20: {  	v4 =	vld [tilespmem:s22+$0x0]  }
0x21: {  	v5 =	vld [tilespmem:s22+$0x10]  }
0x22: {  	v6 =	vld [tilespmem:s22+$0x20]  }
0x23: {  	v7 =	vld [tilespmem:s22+$0xFFFFFFC0]  }
0x24: {  	v8 =	vld.idx.msk [tilespmem:v0+s11+$0x0], $0xffff  }
0x25: {  	v9 =	vld.idx.msk [tilespmem:v1+s11+$0x0], $0xffff  }
0x26: {  	s23 =	simm.s32 $0x1;
	v2 =	vld.idx.msk [tilespmem:v2+s11+$0x0], $0xffff  }
0x27: {  	s23 =	simm.s32 @!p0 $0x0;
	v0 =	vld.idx.msk [tilespmem:v3+s11+$0x0], $0xffff  }
0x28: {  	s23 =	sshll.u32 s23, $0xB;
	v1 =	vld.idx.msk [tilespmem:v4+s11+$0x0], $0xffff  }
0x29: {  	s24 =	sshll.u32 s21, $0xB;
	s23 =	sor.u32 $0x1C740, s23;
	v3 =	vld.idx.msk [tilespmem:v5+s11+$0x0], $0xffff  }
0x2a: {  	s24 =	sand.u32 $0x800, s24;
	v4 =	vld.idx.msk [tilespmem:v6+s11+$0x0], $0xffff;
	[tilespmem:s23+$0x30] =	vst v8  }
0x2b: {  	s25 =	simm.s32 $0x0;
	s26 =	sadd.s32 $0x80, s22;
	s24 =	sor.u32 $0x1C700, s24;
	v5 =	vld.idx.msk [tilespmem:v7+s11+$0x0], $0xffff;
	[tilespmem:s23+$0xFFFFFFD0] =	vst v9  }
.LBB2_4:
0x2c: {  	v6 =	vld [tilespmem:s26+$0x30];
	s25 =	sadd.s32 $0x80, s25;
	[tilespmem:s23+$0xFFFFFFE0] =	vst v2  }
0x2d: {  	v2 =	vld [tilespmem:s26+$0xFFFFFFD0];
	p1 =	slt.u32 s25, $0x780;
	[tilespmem:s23+$0xFFFFFFF0] =	vst v0  }
0x2e: {  	v0 =	vld [tilespmem:s26+$0xFFFFFFE0];
	[tilespmem:s23+$0x0] =	vst v1  }
0x2f: {  	v1 =	vld [tilespmem:s26+$0xFFFFFFF0];
	[tilespmem:s23+$0x10] =	vst v3  }
0x30: {  	v3 =	vld [tilespmem:s26+$0x0];
	[tilespmem:s23+$0x20] =	vst v4  }
0x31: {  	v4 =	vld [tilespmem:s26+$0x10];
	[tilespmem:s23+$0xFFFFFFC0] =	vst v5  }
0x32: {  	v5 =	vld [tilespmem:s26+$0x20]  }
0x33: {  	v7 =	vld [tilespmem:s26+$0xFFFFFFC0]  }
0x34: {  	v6 =	vld.idx.msk [tilespmem:v6+s11+$0x0], $0xffff  }
0x35: {  	v8 =	vld.idx.msk [tilespmem:v2+s11+$0x0], $0xffff  }
0x36: {  	v2 =	vld.idx.msk [tilespmem:v0+s11+$0x0], $0xffff  }
.Ltmp0:
0x37: {  	v0 =	vld.idx.msk [tilespmem:v1+s11+$0x0], $0xffff;
	(pc) =	sbr.rel @p1 .LBB2_4-.Ltmp0, $4  }
0x38: {  	v1 =	vld.idx.msk [tilespmem:v3+s11+$0x0], $0xffff  }
0x39: {  	s23 =	sadd.s32 $0x80, s23;
	v3 =	vld.idx.msk [tilespmem:v4+s11+$0x0], $0xffff  }
0x3a: {  	v4 =	vld.idx.msk [tilespmem:v5+s11+$0x0], $0xffff;
	[tilespmem:s23+$0x30] =	vst v6  }
0x3b: {  	s26 =	sadd.s32 $0x80, s26;
	v5 =	vld.idx.msk [tilespmem:v7+s11+$0x0], $0xffff;
	[tilespmem:s23+$0xFFFFFFD0] =	vst v8  }
0x3c: {  	[tilespmem:s23+$0xFFFFFFE0] =	vst v2;
	s25 =	sadd.s32 s19, s21;
	s21 =	sadd.s32 $0x1, s21  }
0x3d: {  	[tilespmem:s23+$0xFFFFFFF0] =	vst v0;
	p1 =	sne.s32 s21, $0x8  }
.Ltmp1:
0x3e: {  	[tilespmem:s23+$0x0] =	vst v1;
	(pc) =	sbr.rel @p1 .LBB2_3-.Ltmp1, $4  }
0x3f: {  	[tilespmem:s23+$0x10] =	vst v3  }
0x40: {  	s25 =	sshll.u32 s25, $0xB;
	[tilespmem:s23+$0x20] =	vst v4  }
0x41: {  	p0 =	por !p0, !p0;
	s22 =	sadd.s32 $0x800, s22;
	s31 =	sadd.s32 s25, s20;
	[tilespmem:s23+$0xFFFFFFC0] =	vst v5  }
0x42: {  	[hbm4b:s31+s9] =	stream.strided.scatter [tilespmem:s24], [sflag:$0x1], $0x800, s10, s9, $0x38;
	[tilespmem:$0x1D700] =	vst v63  }
0x43: {  	p0 =	seq.s32 s16, $0x4  }
0x44: {  	s17 =	sadd.s32 @!p0 $0x1, s17  }
0x45: {  	s18 =	sshrl.u32 @!p0 s17, $0x3  }
0x46: {  	s17 =	sshll.u32 @!p0 s17, $0x7;
	s18 =	smul.u32 @!p0 $0xC3800, s18  }
0x47: {  	s17 =	sand.u32 @!p0 $0x380, s17  }
0x48: {  	s16 =	sadd.s32 @!p0 $0x1, s16;
	s17 =	sor.u32 @!p0 s17, s18  }
0x49: {  	s19 =	simm.s32 @!p0 $0x400;
	s20 =	simm.s32 @!p0 $0x4000;
	s17 =	sshrl.u32 @!p0 s17, $0x3  }
0x4a: {  	p1 =	sne.s32 @!p0 s16, $0x5;
	s18 =	simm.s32 @!p0 $0x80;
	s17 =	sadd.s32 @!p0 s4, s17  }
0x4b: {  	[tilespmem:s20], [sflag:$0x2] =	stream.strided.gather @!p0 [hbm4b:s17+s18], $0x18700, s19, s18, $0x38;
	[tilespmem:$0x1D700] =	vst v63  }
0x4c: {  	p0 =	por p0, !p1  }
.Ltmp2:
0x4d: {  	_ = 	snop;
	(pc) =	sbr.rel @!p0 .LBB2_2-.Ltmp2, $1  }
0x4e: {  	_ =	sdelay $0x3  }
0x4f: {  	s15 =	sadd.s32 $0x1, s15  }
0x50: {  	_ =	swait.ge [sflag:s14], $0x800;
	p0 =	sne.s32 s15, s8  }
.Ltmp3:
0x51: {  	[sflag:s14] =	ssyncset.done $0x0;
	(pc) =	sbr.rel @p0 .LBB2_1-.Ltmp3, $4  }
0x52: {  	[sflag:s14] =	ssyncadd.s32 $0xFFFFF800  }
0x53: {  	_ =	swait.ge [sflag:s14], $0x800  }
0x54: {  	[sflag:s14] =	ssyncset.done $0x0  }
0x55: {  	[sflag:s14] =	ssyncadd.s32 $0xFFFFF800  }
0x56: {  	_ =	sfence.sel $0x180000  }
0x57: {  	[bflag:$0x0] =	sbarrier.arrive $0xFFFF  }
0x58: {  	p0 =	sne.s32 s0, $0x0;
	_ =	strace $0x90000047  }
0x59: {  	s0 =	sadd.s32 @!p0 $0x100000, s1;
	[bflag:$0x2] =	sbarrier.arrive $0xFFFF  }
0x5a: {  	[sflag:s0] =	ssyncadd.tile.s32 @!p0 $0x1;
	_ =	shalt  }
.Lfunc_end2:
_tile_overlayer_lowered:
.L_overlay_start_2:
0x5b: {  	(tag) =	ssettag $0x2  }
0x5c: {  	s0 =	rddreg [dreg:$0x0];
	s2 =	stileid.u32  }
0x5d: {  	s1 =	rddreg [dreg:$0x1];
	p0 =	sne.s32 s2, $0x0  }
0x5e: {  	s3 =	rddreg [dreg:$0x2];
	[bflag:$0x3] =	sbarrier.arrive $0xFFFF;
	s2 =	simm.s32 @!p0 $0x1C03  }
0x5f: {  	[timem:s3], [sflag:s2] =	dma.local @!p0 [hbm:s0], s1  }
0x60: {  	s0 =	simm.s32 @!p0 $0x3  }
0x61: {  	_ =	swait.ge @!p0 [sflag:s0], s1  }
0x62: {  	s1 =	ssub.s32 @!p0 $0x0, s1;
	[sflag:s0] =	ssyncset.done @!p0 $0x0  }
0x63: {  	[sflag:s0] =	ssyncadd.s32 @!p0 s1  }
0x64: {  	[bflag:$0x3] =	sbarrier.arrive $0xFFFF  }
0x65: {  	_ =	shalt  }

</sc_bundles>
